<compile_context>
chip_gen: v7x
topology: tpu7x:2x2x1
jax: 0.10.2.dev20260603
libtpu: 0.0.44.dev20260713+nightly
codegen_flags: <defaults>
</compile_context>

<pallas_src>
import jax
import jax.numpy as jnp
from jax.experimental import pallas as pl
from jax.experimental.pallas import tpu as pltpu
from jax.experimental.pallas import tpu_sc as plsc

_WEIGHT = 0.7
_L = 16


def _mse_alive_body(data_hbm, out_hbm, d_s, o_s):
    pltpu.sync_copy(data_hbm, d_s)
    x0, x1, t0, t1 = d_s[0], d_s[1], d_s[2], d_s[3]
    a0, a1, p0, p1 = d_s[4], d_s[5], d_s[6], d_s[7]

    sq0 = (x0 - t0) * (x0 - t0)
    sq1 = (x1 - t1) * (x1 - t1)
    cv0 = (p0 == 2.0) & ((x0 < t0) | (a0 == 0.0))
    cv1 = (p1 == 2.0) & ((x1 < t1) | (a1 == 0.0))
    cp0 = p0 == 1.0
    cp1 = p1 == 1.0

    one = jnp.float32(1.0)
    zero = jnp.float32(0.0)
    half = jnp.float32(0.5)
    valid_count = jnp.where(cv0, one, zero) + jnp.where(cv1, one, zero)
    valid_sum = jnp.where(cv0, sq0, zero) + jnp.where(cv1, sq1, zero)
    pseudo_count = jnp.where(cp0, one, zero) + jnp.where(cp1, one, zero)
    pseudo_sum = jnp.where(cp0, sq0, zero) + jnp.where(cp1, sq1, zero)

    loss_true = jnp.where(
        valid_count > zero,
        valid_sum * jnp.where(valid_count == 2.0, half, one),
        zero,
    )
    loss_pseudo = jnp.where(
        pseudo_count > zero,
        pseudo_sum * jnp.where(pseudo_count == 2.0, half, one),
        zero,
    )
    loss = loss_true * _WEIGHT + loss_pseudo * (1.0 - _WEIGHT)

    o_s[0] = loss
    pltpu.sync_copy(o_s, out_hbm)


def kernel(inputs, target, target_label, alive, pseudo, bins):
    x = jnp.reshape(inputs, (-1,))[:2]
    a = alive.astype(jnp.float32)
    p = pseudo.astype(jnp.float32)
    data = jnp.pad(jnp.concatenate([x, target, a, p]), (0, _L - 8))

    run = pl.kernel(
        _mse_alive_body,
        mesh=plsc.ScalarSubcoreMesh(axis_name="c", num_cores=1),
        out_type=jax.ShapeDtypeStruct((1,), jnp.float32),
        scratch_types=[
            pltpu.SMEM((_L,), jnp.float32),
            pltpu.SMEM((1,), jnp.float32),
        ],
    )
    out = run(data)
    return out[0]

# --- scband reference (transcript-rebuilt; emitter-appended) ---
"""Pipeline reference for scband-mse-with-alive4-738734374941 (READ-ONLY COPY).

The authoritative reference and input builder live on the scoring server;
editing this copy changes nothing except your own understanding.
"""

import jax, jax.numpy as jnp
import numpy as np

WEIGHT = 0.7

def setup_inputs(seed: int = 0) -> dict:
    key = jax.random.key(seed)
    k1, k2, k3, k4, k5, k6 = jax.random.split(key, 6)
    inputs = jax.random.normal(k1, (2,), dtype=jnp.float32)
    target = jax.random.uniform(k2, (2,), dtype=jnp.float32)
    target_label = jax.random.uniform(k3, (2, 3), dtype=jnp.float32)
    alive = jax.random.randint(k4, (2,), 0, 2)
    pseudo = jax.random.randint(k5, (2,), 0, 3)
    bins = jax.random.uniform(k6, (3,), dtype=jnp.float32)
    return {"inputs": inputs, "target": target, "target_label": target_label,
            "alive": alive, "pseudo": pseudo, "bins": bins}

def reference(inputs, target, target_label, alive, pseudo, bins):
    # torch: input_sur_time = inputs.resize(2) -> first 2 elements, shape [2]
    input_sur_time = jnp.reshape(inputs, (-1,))[:2]
    cond_valid = (pseudo == 2) & ((input_sur_time < target) | (alive == 0))
    cond_pseudo = (pseudo == 1)
    sq = (input_sur_time - target) ** 2
    valid_count = jnp.sum(cond_valid)
    valid_sum = jnp.sum(jnp.where(cond_valid, sq, 0.0))
    loss_true = jnp.where(
        valid_count > 0,
        valid_sum / jnp.maximum(valid_count, 1),
        jnp.asarray(0.0, dtype=jnp.float32),
    )
    pseudo_count = jnp.sum(cond_pseudo)
    pseudo_sum = jnp.sum(jnp.where(cond_pseudo, sq, 0.0))
    loss_pseudo = jnp.where(
        pseudo_count > 0,
        pseudo_sum / jnp.maximum(pseudo_count, 1),
        jnp.asarray(0.0, dtype=jnp.float32),
    )
    loss = loss_true * WEIGHT + loss_pseudo * (1.0 - WEIGHT)
    return loss

if __name__ == "__main__":
    import jax
    _d = setup_inputs()
    print(jax.jit(kernel)(*tuple(_d.values())))

</pallas_src>

<mosaic_0001>
#map = affine_map<(d0) -> (0)>
module attributes {stable_mosaic.version = 14 : i64} {
  func.func @_mse_alive_body(%arg0: i32, %arg1: memref<16xf32, #tpu.memory_space<hbm>>, %arg2: memref<1xf32, #tpu.memory_space<hbm>>, %arg3: memref<16xf32, #tpu.memory_space<smem>>, %arg4: memref<1xf32, #tpu.memory_space<smem>>) attributes {dimension_semantics = [#tpu.dimension_semantics<core_parallel>], iteration_bounds = array<i64: 1>, scalar_prefetch = 0 : i64, scratch_operands = 2 : i64, tpu.core_type = #tpu.core_type<sc_scalar_subcore>, window_params = [{transform_indices = #map}, {transform_indices = #map}]} {
    "tpu.region"() ({
      %run_scoped3A = tpu.sem_alloc : memref<!tpu.dma_semaphore, #tpu.memory_space<semaphore_mem>>
      tpu.enqueue_dma source(%arg1 : memref<16xf32, #tpu.memory_space<hbm>>) target(%arg3 : memref<16xf32, #tpu.memory_space<smem>>) target_semaphore(%run_scoped3A : memref<!tpu.dma_semaphore, #tpu.memory_space<semaphore_mem>>)
      tpu.wait_dma2 semaphore(%run_scoped3A : memref<!tpu.dma_semaphore, #tpu.memory_space<semaphore_mem>>) src(%arg1 : memref<16xf32, #tpu.memory_space<hbm>>) dst(%arg3 : memref<16xf32, #tpu.memory_space<smem>>)
      tpu.yield
    }) : () -> ()
    %get3A = arith.constant 0 : i32
    %get3A_0 = arith.index_cast %get3A : i32 to index
    %get3A_1 = memref.load %arg3[%get3A_0] : memref<16xf32, #tpu.memory_space<smem>>
    %get3A_2 = arith.constant 1 : i32
    %get3A_3 = arith.index_cast %get3A_2 : i32 to index
    %get3A_4 = memref.load %arg3[%get3A_3] : memref<16xf32, #tpu.memory_space<smem>>
    %get3A_5 = arith.constant 2 : i32
    %get3A_6 = arith.index_cast %get3A_5 : i32 to index
    %get3A_7 = memref.load %arg3[%get3A_6] : memref<16xf32, #tpu.memory_space<smem>>
    %get3A_8 = arith.constant 3 : i32
    %get3A_9 = arith.index_cast %get3A_8 : i32 to index
    %get3A_10 = memref.load %arg3[%get3A_9] : memref<16xf32, #tpu.memory_space<smem>>
    %get3A_11 = arith.constant 4 : i32
    %get3A_12 = arith.index_cast %get3A_11 : i32 to index
    %get3A_13 = memref.load %arg3[%get3A_12] : memref<16xf32, #tpu.memory_space<smem>>
    %get3A_14 = arith.constant 5 : i32
    %get3A_15 = arith.index_cast %get3A_14 : i32 to index
    %get3A_16 = memref.load %arg3[%get3A_15] : memref<16xf32, #tpu.memory_space<smem>>
    %get3A_17 = arith.constant 6 : i32
    %get3A_18 = arith.index_cast %get3A_17 : i32 to index
    %get3A_19 = memref.load %arg3[%get3A_18] : memref<16xf32, #tpu.memory_space<smem>>
    %get3A_20 = arith.constant 7 : i32
    %get3A_21 = arith.index_cast %get3A_20 : i32 to index
    %get3A_22 = memref.load %arg3[%get3A_21] : memref<16xf32, #tpu.memory_space<smem>>
    %sub3A = arith.subf %get3A_1, %get3A_7 : f32
    %sub3A_23 = arith.subf %get3A_1, %get3A_7 : f32
    %mul3A = arith.mulf %sub3A, %sub3A_23 : f32
    %sub3A_24 = arith.subf %get3A_4, %get3A_10 : f32
    %sub3A_25 = arith.subf %get3A_4, %get3A_10 : f32
    %mul3A_26 = arith.mulf %sub3A_24, %sub3A_25 : f32
    %eq3A = arith.constant 2.000000e+00 : f32
    %eq3A_27 = arith.cmpf oeq, %get3A_19, %eq3A : f32
    %lt3A = arith.cmpf olt, %get3A_1, %get3A_7 : f32
    %eq3A_28 = arith.constant 0.000000e+00 : f32
    %eq3A_29 = arith.cmpf oeq, %get3A_13, %eq3A_28 : f32
    %or3A = arith.ori %lt3A, %eq3A_29 : i1
    %and3A = arith.andi %eq3A_27, %or3A : i1
    %eq3A_30 = arith.constant 2.000000e+00 : f32
    %eq3A_31 = arith.cmpf oeq, %get3A_22, %eq3A_30 : f32
    %lt3A_32 = arith.cmpf olt, %get3A_4, %get3A_10 : f32
    %eq3A_33 = arith.constant 0.000000e+00 : f32
    %eq3A_34 = arith.cmpf oeq, %get3A_16, %eq3A_33 : f32
    %or3A_35 = arith.ori %lt3A_32, %eq3A_34 : i1
    %and3A_36 = arith.andi %eq3A_31, %or3A_35 : i1
    %eq3A_37 = arith.constant 1.000000e+00 : f32
    %eq3A_38 = arith.cmpf oeq, %get3A_19, %eq3A_37 : f32
    %eq3A_39 = arith.constant 1.000000e+00 : f32
    %eq3A_40 = arith.cmpf oeq, %get3A_22, %eq3A_39 : f32
    %jit3A = arith.constant 1.000000e+00 : f32
    %jit3A_41 = arith.constant 0.000000e+00 : f32
    %select_n3A = arith.select %and3A, %jit3A, %jit3A_41 : f32
    %jit3A_42 = arith.constant 1.000000e+00 : f32
    %jit3A_43 = arith.constant 0.000000e+00 : f32
    %select_n3A_44 = arith.select %and3A_36, %jit3A_42, %jit3A_43 : f32
    %add3A = arith.addf %select_n3A, %select_n3A_44 : f32
    %jit3A_45 = arith.constant 0.000000e+00 : f32
    %select_n3A_46 = arith.select %and3A, %mul3A, %jit3A_45 : f32
    %jit3A_47 = arith.constant 0.000000e+00 : f32
    %select_n3A_48 = arith.select %and3A_36, %mul3A_26, %jit3A_47 : f32
    %add3A_49 = arith.addf %select_n3A_46, %select_n3A_48 : f32
    %jit3A_50 = arith.constant 1.000000e+00 : f32
    %jit3A_51 = arith.constant 0.000000e+00 : f32
    %select_n3A_52 = arith.select %eq3A_38, %jit3A_50, %jit3A_51 : f32
    %jit3A_53 = arith.constant 1.000000e+00 : f32
    %jit3A_54 = arith.constant 0.000000e+00 : f32
    %select_n3A_55 = arith.select %eq3A_40, %jit3A_53, %jit3A_54 : f32
    %add3A_56 = arith.addf %select_n3A_52, %select_n3A_55 : f32
    %jit3A_57 = arith.constant 0.000000e+00 : f32
    %select_n3A_58 = arith.select %eq3A_38, %mul3A, %jit3A_57 : f32
    %jit3A_59 = arith.constant 0.000000e+00 : f32
    %select_n3A_60 = arith.select %eq3A_40, %mul3A_26, %jit3A_59 : f32
    %add3A_61 = arith.addf %select_n3A_58, %select_n3A_60 : f32
    %gt3A = arith.constant 0.000000e+00 : f32
    %gt3A_62 = arith.cmpf ogt, %add3A, %gt3A : f32
    %eq3A_63 = arith.constant 2.000000e+00 : f32
    %eq3A_64 = arith.cmpf oeq, %add3A, %eq3A_63 : f32
    %jit3A_65 = arith.constant 5.000000e-01 : f32
    %jit3A_66 = arith.constant 1.000000e+00 : f32
    %select_n3A_67 = arith.select %eq3A_64, %jit3A_65, %jit3A_66 : f32
    %mul3A_68 = arith.mulf %add3A_49, %select_n3A_67 : f32
    %jit3A_69 = arith.constant 0.000000e+00 : f32
    %select_n3A_70 = arith.select %gt3A_62, %mul3A_68, %jit3A_69 : f32
    %gt3A_71 = arith.constant 0.000000e+00 : f32
    %gt3A_72 = arith.cmpf ogt, %add3A_56, %gt3A_71 : f32
    %eq3A_73 = arith.constant 2.000000e+00 : f32
    %eq3A_74 = arith.cmpf oeq, %add3A_56, %eq3A_73 : f32
    %jit3A_75 = arith.constant 5.000000e-01 : f32
    %jit3A_76 = arith.constant 1.000000e+00 : f32
    %select_n3A_77 = arith.select %eq3A_74, %jit3A_75, %jit3A_76 : f32
    %mul3A_78 = arith.mulf %add3A_61, %select_n3A_77 : f32
    %jit3A_79 = arith.constant 0.000000e+00 : f32
    %select_n3A_80 = arith.select %gt3A_72, %mul3A_78, %jit3A_79 : f32
    %mul3A_81 = arith.constant 0.699999988 : f32
    %mul3A_82 = arith.mulf %select_n3A_70, %mul3A_81 : f32
    %mul3A_83 = arith.constant 3.000000e-01 : f32
    %mul3A_84 = arith.mulf %select_n3A_80, %mul3A_83 : f32
    %add3A_85 = arith.addf %mul3A_82, %mul3A_84 : f32
    %swap3A = arith.constant 0 : i32
    %swap3A_86 = arith.index_cast %swap3A : i32 to index
    %swap3A_87 = memref.load %arg4[%swap3A_86] : memref<1xf32, #tpu.memory_space<smem>>
    memref.store %add3A_85, %arg4[%swap3A_86] : memref<1xf32, #tpu.memory_space<smem>>
    "tpu.region"() ({
      %run_scoped3A = tpu.sem_alloc : memref<!tpu.dma_semaphore, #tpu.memory_space<semaphore_mem>>
      tpu.enqueue_dma source(%arg4 : memref<1xf32, #tpu.memory_space<smem>>) target(%arg2 : memref<1xf32, #tpu.memory_space<hbm>>) target_semaphore(%run_scoped3A : memref<!tpu.dma_semaphore, #tpu.memory_space<semaphore_mem>>)
      tpu.wait_dma2 semaphore(%run_scoped3A : memref<!tpu.dma_semaphore, #tpu.memory_space<semaphore_mem>>) src(%arg4 : memref<1xf32, #tpu.memory_space<smem>>) dst(%arg2 : memref<1xf32, #tpu.memory_space<hbm>>)
      tpu.yield
    }) : () -> ()
    return
  }
}

</mosaic_0001>

<sc_bundles>
// kernel: kernel.3.cloned.1.call-start
scs
__scs_entry_jumppad:
0x0: {  	(pc) =	sbr.rel $0x88, $3  }
0x1: {  	(tag) =	ssettag $0x0;
	lr =	simm.s32 $0x1  }
0x2: {  	[smem:$0x3F9D] =	sst lr;
	_ =	strace $0xD0000000  }
0x3: {  	_ = 	snop  }
0x4: {  	_ = 	snop  }
0x5: {  	_ = 	snop  }
0x6: {  	_ = 	snop  }
0x7: {  	_ = 	snop  }
__scs_overlays_trampoline_lowered:
0x8: {  	[smem:$0x3FAC] =	sst s0  }
0x9: {  	[smem:$0x3FAD] =	sst s1  }
0xa: {  	[smem:$0x3FAE] =	sst s2  }
0xb: {  	[smem:$0x3FAF] =	sst s3  }
0xc: {  	[smem:$0x3FB0] =	sst s4  }
0xd: {  	[smem:$0x3FB1] =	sst s5  }
0xe: {  	[smem:$0x3FB2] =	sst s6  }
0xf: {  	[smem:$0x3FB3] =	sst s7  }
0x10: {  	[smem:$0x3FB4] =	sst s8  }
0x11: {  	[smem:$0x3FB5] =	sst s9;
	s0 =	simm.s32 @!p0 $0x0  }
0x12: {  	s1 =	sld [smem:$0x3F9B];
	s0 =	simm.s32 @p0 $0x1  }
0x13: {  	[smem:$0x3FB6] =	sst s0;
	s0 =	simm.s32 @!p1 $0x0  }
0x14: {  	s2 =	sld [smem:$0x3F9A];
	s0 =	simm.s32 @p1 $0x1  }
0x15: {  	[smem:$0x3FB7] =	sst s0;
	s0 =	simm.s32 @!p2 $0x0  }
0x16: {  	s3 =	sld [smem:$0x3FDB];
	s0 =	simm.s32 @p2 $0x1  }
0x17: {  	s4 =	simm.s32 $0x1BF5;
	[smem:$0x3FB9] =	sst s0  }
0x18: {  	s0 =	sld [smem:$0x3F9C];
	_ =	swait.ge [sflag:s4], $0x0  }
0x19: {  	s7 =	sld [smem:$0x3F9D]  }
0x1a: {  	s8 =	sadd.s32 $0xFFFFE003, lr  }
0x1b: {  	s9 =	sadd.s32 $0xFFFFFEF7, lr;
	s5 =	simm.s32 $0xFFFFFFFF;
	p2 =	slt.u32 s8, $0xFFFFF086  }
0x1c: {  	p1 =	slt.u32 s9, $0xF7A;
	s5 =	simm.s32 @!p2 $0x0  }
0x1d: {  	s5 =	simm.s32 @p1 $0x1;
	p0 =	seq.s32 s7, s2  }
0x1e: {  	s7 =	smul.u32 @!p0 $0xF7A, s2;
	p2 =	seq.s32 @!p0 s5, $0x0  }
0x1f: {  	s9 =	smul.u32 $0xF7A, s1;
	s8 =	simm.s32 @!p0 $0x1BF5;
	p2 =	por !p2, p0  }
0x20: {  	[sflag:s8] =	ssyncset.s32 @!p0 $0xFFFFF086;
	s6 =	sadd.s32 @!p0 s3, s7;
	s7 =	simm.s32 @!p0 $0x108  }
0x21: {  	s3 =	sadd.s32 s3, s9;
	s6 =	sadd.s32 @!p0 $0x88, s6;
	s7 =	simm.s32 @p2 $0x1082  }
0x22: {  	[simem:s7], [sflag:s8] =	dma.local @!p0 [hbm:s6], $0xF7A  }
0x23: {  	s9 =	sor.u32 $0xD0000000, s2;
	s6 =	simm.s32 $0x108;
	_ =	swait.ge @!p0 [sflag:s8], $0x0  }
0x24: {  	s3 =	sadd.s32 $0x88, s3;
	s6 =	simm.s32 @!p1 $0x1082;
	[sflag:s4] =	ssyncset.s32 $0xFFFFF086  }
0x25: {  	[simem:s6], [sflag:s4] =	dma.local [hbm:s3], $0xF7A  }
0x26: {  	[smem:$0x3F9D] =	sst s1;
	(tag) =	ssettag s2;
	_ =	strace s9  }
0x27: {  	s1 =	sld [smem:$0x3FAD]  }
0x28: {  	s2 =	sld [smem:$0x3FAE]  }
0x29: {  	s4 =	sld [smem:$0x3FB0]  }
0x2a: {  	p0 =	seq.s32 s5, $0x0;
	s5 =	sld [smem:$0x3FB1]  }
0x2b: {  	s6 =	sld [smem:$0x3FB2]  }
0x2c: {  	s7 =	sld [smem:$0x3FB3]  }
0x2d: {  	s3 =	simm.s32 $0x108;
	s8 =	sld [smem:$0x3FB4]  }
0x2e: {  	s3 =	simm.s32 @!p0 $0x1082;
	s9 =	sld [smem:$0x3FB5]  }
0x2f: {  	lr =	sadd.s32 s0, s3;
	s0 =	sld [smem:$0x3FAC]  }
0x30: {  	s3 =	sld [smem:$0x3FAF]  }
0x31: {  	[smem:$0x3FB8] =	sst s10  }
0x32: {  	s10 =	sld [smem:$0x3FB6];
	_ =	sdelay $0x3  }
0x33: {  	p0 =	seq.s32 s10, $0x1;
	s10 =	sld [smem:$0x3FB8];
	_ =	sdelay $0x3  }
0x34: {  	[smem:$0x3FB8] =	sst s10  }
0x35: {  	s10 =	sld [smem:$0x3FB7];
	_ =	sdelay $0x3  }
0x36: {  	p1 =	seq.s32 s10, $0x1;
	s10 =	sld [smem:$0x3FB8];
	_ =	sdelay $0x3  }
0x37: {  	[smem:$0x3FB8] =	sst s10  }
0x38: {  	s10 =	sld [smem:$0x3FB9]  }
0x39: {  	_ = 	snop;
	(pc) =	sbr.ind lr, $3  }
0x3a: {  	_ = 	snop  }
0x3b: {  	_ = 	snop  }
0x3c: {  	p2 =	seq.s32 s10, $0x1;
	s10 =	sld [smem:$0x3FB8]  }
0x3d: {  	_ =	shalt  }
0x3e: {  	_ =	shalt  }
0x3f: {  	_ =	shalt  }
0x40: {  	_ =	shalt  }
0x41: {  	_ =	shalt  }
0x42: {  	_ =	shalt  }
0x43: {  	_ =	shalt  }
0x44: {  	_ =	shalt  }
0x45: {  	_ =	shalt  }
0x46: {  	_ =	shalt  }
0x47: {  	_ =	shalt  }
0x48: {  	_ =	shalt  }
0x49: {  	_ =	shalt  }
0x4a: {  	_ =	shalt  }
0x4b: {  	_ =	shalt  }
0x4c: {  	_ =	shalt  }
0x4d: {  	_ =	shalt  }
0x4e: {  	_ =	shalt  }
0x4f: {  	_ =	shalt  }
0x50: {  	_ =	shalt  }
0x51: {  	_ =	shalt  }
0x52: {  	_ =	shalt  }
0x53: {  	_ =	shalt  }
0x54: {  	_ =	shalt  }
0x55: {  	_ =	shalt  }
0x56: {  	_ =	shalt  }
0x57: {  	_ =	shalt  }
0x58: {  	_ =	shalt  }
0x59: {  	_ =	shalt  }
0x5a: {  	_ =	shalt  }
0x5b: {  	_ =	shalt  }
0x5c: {  	_ =	shalt  }
0x5d: {  	_ =	shalt  }
0x5e: {  	_ =	shalt  }
0x5f: {  	_ =	shalt  }
0x60: {  	_ =	shalt  }
0x61: {  	_ =	shalt  }
0x62: {  	_ =	shalt  }
0x63: {  	_ =	shalt  }
0x64: {  	_ =	shalt  }
0x65: {  	_ =	shalt  }
0x66: {  	_ =	shalt  }
0x67: {  	_ =	shalt  }
0x68: {  	_ =	shalt  }
0x69: {  	_ =	shalt  }
0x6a: {  	_ =	shalt  }
0x6b: {  	_ =	shalt  }
0x6c: {  	_ =	shalt  }
0x6d: {  	_ =	shalt  }
0x6e: {  	_ =	shalt  }
0x6f: {  	_ =	shalt  }
0x70: {  	_ =	shalt  }
0x71: {  	_ =	shalt  }
0x72: {  	_ =	shalt  }
0x73: {  	_ =	shalt  }
0x74: {  	_ =	shalt  }
0x75: {  	_ =	shalt  }
0x76: {  	_ =	shalt  }
0x77: {  	_ =	shalt  }
0x78: {  	_ =	shalt  }
0x79: {  	_ =	shalt  }
0x7a: {  	_ =	shalt  }
0x7b: {  	_ =	shalt  }
0x7c: {  	_ =	shalt  }
0x7d: {  	_ =	shalt  }
0x7e: {  	_ =	shalt  }
0x7f: {  	_ =	shalt  }
0x80: {  	_ =	shalt  }
0x81: {  	_ =	shalt  }
0x82: {  	_ =	shalt  }
0x83: {  	_ =	shalt  }
0x84: {  	_ =	shalt  }
0x85: {  	_ =	shalt  }
0x86: {  	_ =	shalt  }
0x87: {  	_ =	shalt  }
.Lfunc_end0:
.L_simem_size_0:
called_computation_lowered:
.L_overlay_start_0:
0x88: {  	s0 =	sld [smem:$0x3FD9]  }
0x89: {  	s1 =	sld [smem:$0x3FFE];
	_ =	sdelay $0x3  }
0x8a: {  	s0 =	sadd.s32 s1, s0  }
0x8b: {  	[smem:$0x3FC4] =	sst s0  }
0x8c: {  	_ = 	snop  }
0x8d: {  	s0 =	sld [smem:$0x3FD0];
	(tm) =	ssettm $0x1  }
0x8e: {  	s19 =	sld [smem:$0x3FFB];
	_ =	sdelay $0x3  }
0x8f: {  	_ =	strace s19  }
0x90: {  	s1 =	sld [smem:$0x3FFC];
	_ =	sdelay $0x3  }
0x91: {  	_ =	strace s1  }
0x92: {  	s1 =	sld [smem:$0x3FFD];
	_ =	sdelay $0x3  }
0x93: {  	_ =	strace s1  }
0x94: {  	s20 =	simm.s32 $0x1B8B;
	_ =	strace $0x8FFFFFFF  }
0x95: {  	_ =	swait.ge [sflag:s20], $0x1  }
0x96: {  	s2 =	sld [smem:$0x3FFE]  }
0x97: {  	[sflag:s20] =	ssyncset.done $0x0  }
0x98: {  	s21 =	simm.s32 $0x1B8E;
	[sflag:s20] =	ssyncadd.s32 $0xFFFFFFFF  }
0x99: {  	s22 =	simm.s32 $0x9;
	[smem:$0x3FD2] =	sst s21  }
0x9a: {  	s3 =	simm.s32 $0x10;
	_ =	strace $0x80000046;
	s2 =	sadd.s32 $0xC00, s2  }
0x9b: {  	[smem:s3], [sflag:s22] =	dma.local [hbm:s2], $0x10  }
0x9c: {  	_ =	swait.ge [sflag:s22], $0x10  }
0x9d: {  	[sflag:s22] =	ssyncset.done $0x0  }
0x9e: {  	[sflag:s22] =	ssyncadd.s32 $0xFFFFFFF0  }
0x9f: {  	s23 =	sld [smem:$0x10]  }
0xa0: {  	s24 =	sld [smem:$0x11]  }
0xa1: {  	s4 =	sld [smem:$0x12]  }
0xa2: {  	s5 =	sld [smem:$0x13]  }
0xa3: {  	s6 =	sld [smem:$0x14]  }
0xa4: {  	s7 =	sld [smem:$0x15]  }
0xa5: {  	s8 =	sld [smem:$0x16]  }
0xa6: {  	s9 =	sld [smem:$0x17]  }
0xa7: {  	s10 =	ssub.f32 s23, s4;
	p0 =	slt.f32 s23, s4  }
0xa8: {  	p1 =	seq.f32 s6, $0.0e+00;
	p2 =	slt.f32 s24, s5  }
0xa9: {  	p3 =	seq.f32 s7, $0.0e+00;
	p4 =	seq.f32 s8, $2.000000000e+00  }
0xaa: {  	p5 =	seq.f32 s9, $2.000000000e+00;
	s25 =	ssub.f32 s24, s5;
	s4 =	simm.f32 $1.000000000e+00  }
0xab: {  	s5 =	simm.f32 $1.000000000e+00;
	p0 =	por p0, p1;
	p6 =	por p2, p3  }
0xac: {  	s3 =	smul.f32 s10, s10;
	p0 =	por !p0, !p4;
	p1 =	por !p6, !p5  }
0xad: {  	s2 =	smul.f32 s25, s25;
	p2 =	por !p0, !p0;
	p1 =	por !p1, !p1  }
0xae: {  	p3 =	seq.f32 s9, $1.000000000e+00;
	s4 =	simm.s32 @!p2 $0x0;
	s5 =	simm.s32 @!p1 $0x0  }
0xaf: {  	s6 =	smov.u32 s2;
	s4 =	sadd.f32 s5, s4;
	s5 =	smov.u32 s3  }
0xb0: {  	p0 =	seq.f32 s8, $1.000000000e+00;
	s6 =	simm.s32 @!p1 $0x0;
	s5 =	simm.s32 @!p2 $0x0  }
0xb1: {  	s7 =	simm.f32 $1.000000000e+00;
	s5 =	sadd.f32 s6, s5;
	s6 =	simm.f32 $1.000000000e+00  }
0xb2: {  	s7 =	simm.s32 @!p3 $0x0;
	s6 =	simm.s32 @!p0 $0x0  }
0xb3: {  	s6 =	sadd.f32 s7, s6  }
0xb4: {  	s3 =	simm.s32 @!p0 $0x0;
	p0 =	seq.f32 s4, $2.000000000e+00  }
0xb5: {  	s2 =	simm.s32 @!p3 $0x0;
	s7 =	simm.f32 $5.000000000e-01;
	p1 =	seq.f32 s6, $2.000000000e+00  }
0xb6: {  	s2 =	sadd.f32 s2, s3;
	s3 =	simm.f32 $5.000000000e-01;
	s7 =	simm.s32 @!p0 $0x3F800000  }
0xb7: {  	s5 =	smul.f32 s7, s5;
	s3 =	simm.s32 @!p1 $0x3F800000  }
0xb8: {  	s2 =	smul.f32 s3, s2  }
0xb9: {  	p0 =	sgt.f32 s4, $0.0e+00;
	s3 =	smul.f32 $6.999999880e-01, s5  }
0xba: {  	p1 =	sgt.f32 s6, $0.0e+00;
	s2 =	smul.f32 $3.000000120e-01, s2  }
0xbb: {  	_ = 	snop  }
0xbc: {  	s3 =	simm.s32 @!p0 $0x0;
	s2 =	simm.s32 @!p1 $0x0  }
0xbd: {  	s2 =	sadd.f32 s3, s2;
	_ =	sdelay $0x1  }
0xbe: {  	s26 =	simm.s32 $0x90;
	[smem:$0x90] =	sst s2  }
0xbf: {  	[hbm:s0], [sflag:s22] =	dma.local [smem:s26], $0x10  }
0xc0: {  	_ =	swait.ge [sflag:s22], $0x10  }
0xc1: {  	[sflag:s22] =	ssyncset.done $0x0  }
0xc2: {  	[sflag:s22] =	ssyncadd.s32 $0xFFFFFFF0  }
0xc3: {  	_ =	strace $0x90000046  }
0xc4: {  	_ =	sfence  }
0xc5: {  	s28 =	sld [smem:$0x0];
	_ =	sdelay $0x1  }
0xc6: {  	s29 =	srdreg.scid  }
0xc7: {  	s30 =	sshll.u32 s29, $0xD;
	s31 =	sshrl.u32 s29, $0x2  }
0xc8: {  	s1 =	sand.u32 $0x1, s29;
	s2 =	sand.u32 $0x4000, s30;
	s0 =	sadd.s32 s31, s28  }
0xc9: {  	s1 =	sor.u32 s2, s1;
	s0 =	sshll.u32 s0, $0x11  }
0xca: {  	s0 =	sor.u32 s0, s1  }
0xcb: {  	s0 =	sadd.s32 $0x8F2B, s0;
	(pc) =	sbr.abs _section_cstart, $3  }
0xcc: {  	[sflag:s0] =	ssyncadd.remote.s32 $0x1  }
0xcd: {  	_ =	strace $0x9FFFFFFF  }
0xce: {  	(tm) =	ssettm $0x7FFFFFFF  }
0xcf: {  	_ =	shalt  }

</sc_bundles>
